<compile_context>
chip_gen: v7x
topology: tpu7x:2x2x1
jax: 0.10.2.dev20260603
libtpu: 0.0.44.dev20260713+nightly
codegen_flags: <defaults>
</compile_context>

<pallas_src>
import functools

import jax
import jax.numpy as jnp
from jax import lax
from jax.experimental import pallas as pl
from jax.experimental.pallas import tpu as pltpu
from jax.experimental.pallas import tpu_sc as plsc

NN = 10000
EE = 320000
DIN = 128
DH = 256
HALF = DH // 2
NC = 2
NS = 16
LL = 16
NP = 10240
RPT = NP // NS
K = 128
EPAD = 323584
MB = 2
CB = EPAD // (NS * MB * K)
DC = EPAD // (NC * NS * K)
RBLK = 2000

_f32 = jnp.float32


def _deg_body(dst_hbm, zeros_hbm, out_hbm, dst_v, ones_v, hist_sp):
    c = lax.axis_index("c")
    s = lax.axis_index("s")
    wid = c * NS + s
    pltpu.sync_copy(zeros_hbm, hist_sp.at[pl.ds(s * RPT, RPT)])
    pltpu.sync_copy(dst_hbm.at[wid], dst_v)
    for j in range(K // LL):
        ones_v[pl.ds(j * LL, LL)] = jnp.ones((LL,), _f32)
    plsc.subcore_barrier()

    def chunk(j, carry):
        pltpu.sync_copy(ones_v, hist_sp.at[dst_v.at[j]], add=True)
        return carry

    lax.fori_loop(0, DC, chunk, 0)
    plsc.subcore_barrier()
    pltpu.sync_copy(hist_sp.at[pl.ds(s * RPT, RPT)],
                    out_hbm.at[c].at[pl.ds(s * RPT, RPT)])


@jax.jit
def _deg_call(dst_deg, zeros1):
    mesh = plsc.VectorSubcoreMesh(core_axis_name="c", subcore_axis_name="s")
    return pl.kernel(
        _deg_body,
        out_type=jax.ShapeDtypeStruct((NC, NP), _f32),
        mesh=mesh,
        scratch_types=[
            pltpu.VMEM((DC, K), jnp.int32),
            pltpu.VMEM((K,), _f32),
            pltpu.VMEM_SHARED((NP,), _f32),
        ],
    )(dst_deg, zeros1)


def _msg_body(u_hbm, src_hbm, dst_hbm, zeros_hbm, out_hbm,
              src_v, dst_v, rows0, sg0, acc_sp):
    c = lax.axis_index("c")
    s = lax.axis_index("s")
    pltpu.sync_copy(zeros_hbm, acc_sp.at[pl.ds(s * RPT, RPT)])
    plsc.subcore_barrier()

    uc = u_hbm.at[c]

    def blk(bi, carry):
        pltpu.sync_copy(src_hbm.at[s].at[bi], src_v)
        pltpu.sync_copy(dst_hbm.at[s].at[bi], dst_v)

        def chunk(j, c2):
            pltpu.async_copy(uc.at[src_v.at[j]], rows0, sg0).wait()
            pltpu.sync_copy(rows0, acc_sp.at[dst_v.at[j]], add=True)
            return c2

        lax.fori_loop(0, CB, chunk, 0)
        return carry

    lax.fori_loop(0, MB, blk, 0)
    plsc.subcore_barrier()
    pltpu.sync_copy(acc_sp.at[pl.ds(s * RPT, RPT)],
                    out_hbm.at[c].at[pl.ds(s * RPT, RPT)])


@jax.jit
def _msg_call(u, src_msg, dst_msg, zeros2):
    mesh = plsc.VectorSubcoreMesh(core_axis_name="c", subcore_axis_name="s")
    return pl.kernel(
        _msg_body,
        out_type=jax.ShapeDtypeStruct((NC, NP, HALF), _f32),
        mesh=mesh,
        scratch_types=[
            pltpu.VMEM((CB, K), jnp.int32),
            pltpu.VMEM((CB, K), jnp.int32),
            pltpu.VMEM((K, HALF), _f32),
            pltpu.SemaphoreType.DMA,
            pltpu.VMEM_SHARED((NP, HALF), _f32),
        ],
    )(u, src_msg, dst_msg, zeros2)


def _k1_body(x_ref, w_ref, p0_ref, p1_ref, u_ref, dinv_ref):
    deg = p0_ref[...] + p1_ref[...] + 1.0
    dinv = 1.0 / jnp.sqrt(deg)
    h = jnp.dot(x_ref[...], w_ref[...], preferred_element_type=_f32)
    u = h * dinv
    u_ref[0] = u[:, :HALF]
    u_ref[1] = u[:, HALF:]
    dinv_ref[...] = dinv


@jax.jit
def _k1_call(x, W1, p0, p1):
    grid = NN // RBLK
    return pl.pallas_call(
        _k1_body,
        grid=(grid,),
        in_specs=[
            pl.BlockSpec((RBLK, DIN), lambda i: (i, 0)),
            pl.BlockSpec((DIN, DH), lambda i: (0, 0)),
            pl.BlockSpec((RBLK, 1), lambda i: (i, 0)),
            pl.BlockSpec((RBLK, 1), lambda i: (i, 0)),
        ],
        out_specs=[
            pl.BlockSpec((NC, RBLK, HALF), lambda i: (0, i, 0)),
            pl.BlockSpec((RBLK, 1), lambda i: (i, 0)),
        ],
        out_shape=[
            jax.ShapeDtypeStruct((NC, NN, HALF), _f32),
            jax.ShapeDtypeStruct((NN, 1), _f32),
        ],
    )(x, W1, p0, p1)


def _k2_body(s_ref, u_ref, dinv_ref, b_ref, w_ref, u2_ref):
    sfull = jnp.concatenate([s_ref[0], s_ref[1]], axis=1)
    ufull = jnp.concatenate([u_ref[0], u_ref[1]], axis=1)
    dinv = dinv_ref[...]
    h1 = jnp.maximum(dinv * (sfull + ufull) + b_ref[...], 0.0)
    h2 = jnp.dot(h1, w_ref[...], preferred_element_type=_f32)
    u2 = h2 * dinv
    u2_ref[0] = u2[:, :HALF]
    u2_ref[1] = u2[:, HALF:]


@jax.jit
def _k2_call(s, u, dinv, b1, W2):
    grid = NN // RBLK
    return pl.pallas_call(
        _k2_body,
        grid=(grid,),
        in_specs=[
            pl.BlockSpec((NC, RBLK, HALF), lambda i: (0, i, 0)),
            pl.BlockSpec((NC, RBLK, HALF), lambda i: (0, i, 0)),
            pl.BlockSpec((RBLK, 1), lambda i: (i, 0)),
            pl.BlockSpec((1, DH), lambda i: (0, 0)),
            pl.BlockSpec((DH, DH), lambda i: (0, 0)),
        ],
        out_specs=pl.BlockSpec((NC, RBLK, HALF), lambda i: (0, i, 0)),
        out_shape=jax.ShapeDtypeStruct((NC, NN, HALF), _f32),
    )(s, u, dinv, b1, W2)


def _k3_body(t_ref, u2_ref, dinv_ref, b_ref, wo_ref, bo_ref, out_ref, acc_ref):
    i = pl.program_id(0)
    tfull = jnp.concatenate([t_ref[0], t_ref[1]], axis=1)
    ufull = jnp.concatenate([u2_ref[0], u2_ref[1]], axis=1)
    rows = jnp.maximum(dinv_ref[...] * (tfull + ufull) + b_ref[...], 0.0)
    part = jnp.sum(rows, axis=0, keepdims=True)

    @pl.when(i == 0)
    def _():
        acc_ref[...] = part

    @pl.when(i > 0)
    def _():
        acc_ref[...] = acc_ref[...] + part

    @pl.when(i == pl.num_programs(0) - 1)
    def _():
        g = acc_ref[...] / NN
        out_ref[...] = (jnp.dot(g, wo_ref[...], preferred_element_type=_f32,
                 precision=lax.Precision.HIGHEST)
                        + bo_ref[...])


@jax.jit
def _k3_call(t, u2, dinv, b2, Wo, bo):
    grid = NN // RBLK
    return pl.pallas_call(
        _k3_body,
        grid=(grid,),
        in_specs=[
            pl.BlockSpec((NC, RBLK, HALF), lambda i: (0, i, 0)),
            pl.BlockSpec((NC, RBLK, HALF), lambda i: (0, i, 0)),
            pl.BlockSpec((RBLK, 1), lambda i: (i, 0)),
            pl.BlockSpec((1, DH), lambda i: (0, 0)),
            pl.BlockSpec((DH, 1), lambda i: (0, 0)),
            pl.BlockSpec((1, 1), lambda i: (0, 0)),
        ],
        out_specs=pl.BlockSpec((1, 1), lambda i: (0, 0)),
        out_shape=jax.ShapeDtypeStruct((1, 1), _f32),
        scratch_shapes=[pltpu.VMEM((1, DH), _f32)],
    )(t, u2, dinv, b2, Wo, bo)


def kernel(x, edge_index, W1, b1, W2, b2, Wo, bo):
    src = edge_index[0]
    dst = edge_index[1]
    pad_e = EPAD - EE
    srcp = jnp.concatenate([src, jnp.zeros((pad_e,), jnp.int32)])
    dstp = jnp.concatenate([dst, jnp.full((pad_e,), NP - 1, jnp.int32)])
    src_msg = srcp.reshape(NS, MB, CB, K)
    dst_msg = dstp.reshape(NS, MB, CB, K)
    dst_deg = dstp.reshape(NC * NS, DC, K)
    zeros1 = jnp.zeros((RPT,), _f32)
    zeros2 = jnp.zeros((RPT, HALF), _f32)

    degp = _deg_call(dst_deg, zeros1)
    u, dinv = _k1_call(x, W1, degp[0, :NN, None], degp[1, :NN, None])
    s = _msg_call(u, src_msg, dst_msg, zeros2)
    u2 = _k2_call(s, u, dinv, b1[None, :], W2)
    t = _msg_call(u2, src_msg, dst_msg, zeros2)
    return _k3_call(t, u2, dinv, b2[None, :], Wo, bo[None, :])

# --- scband reference (transcript-rebuilt; emitter-appended) ---
"""Pipeline reference for scband-robotic-manipulation-gnn-36971078484409 (READ-ONLY COPY).

The authoritative reference and input builder live on the scoring server;
editing this copy changes nothing except your own understanding.
"""

import jax, jax.numpy as jnp
import numpy as np

N = 10000
E = 320000
D_IN = 128
D_H = 256
D_OUT = 1


def gcn_conv(x, edge_index, W, b):
    n = x.shape[0]
    loop = jnp.arange(n, dtype=edge_index.dtype)
    src = jnp.concatenate([edge_index[0], loop])
    dst = jnp.concatenate([edge_index[1], loop])
    deg = jax.ops.segment_sum(jnp.ones(src.shape[0], dtype=x.dtype), dst, num_segments=n)
    dinv = jnp.where(deg > 0, 1.0 / jnp.sqrt(deg), 0.0)
    norm = dinv[src] * dinv[dst]
    h = x @ W
    msg = h[src] * norm[:, None]
    out = jax.ops.segment_sum(msg, dst, num_segments=n)
    return out + b


def setup_inputs(seed: int = 0) -> dict:
    key = jax.random.key(seed)
    ks = jax.random.split(key, 8)
    x = jax.random.normal(ks[0], (N, D_IN), dtype=jnp.float32)
    edge_index = jax.random.randint(ks[1], (2, E), 0, N, dtype=jnp.int32)
    W1 = jax.random.normal(ks[2], (D_IN, D_H), dtype=jnp.float32) * (1.0 / np.sqrt(D_IN))
    b1 = jnp.zeros((D_H,), dtype=jnp.float32)
    W2 = jax.random.normal(ks[3], (D_H, D_H), dtype=jnp.float32) * (1.0 / np.sqrt(D_H))
    b2 = jnp.zeros((D_H,), dtype=jnp.float32)
    Wo = jax.random.normal(ks[4], (D_H, D_OUT), dtype=jnp.float32) * (1.0 / np.sqrt(D_H))
    bo = jnp.zeros((D_OUT,), dtype=jnp.float32)
    return {"x": x, "edge_index": edge_index, "W1": W1, "b1": b1, "W2": W2, "b2": b2, "Wo": Wo, "bo": bo}


def reference(x, edge_index, W1, b1, W2, b2, Wo, bo):
    h = jax.nn.relu(gcn_conv(x, edge_index, W1, b1))
    h = jax.nn.relu(gcn_conv(h, edge_index, W2, b2))
    g = jnp.mean(h, axis=0, keepdims=True)  # global_mean_pool with batch=None -> [1, D_H]
    out = g @ Wo + bo
    return out

if __name__ == "__main__":
    import jax
    _d = setup_inputs()
    print(jax.jit(kernel)(*tuple(_d.values())))

</pallas_src>

<mosaic_0001>
#map = affine_map<(d0, d1) -> (0, 0, 0)>
#map1 = affine_map<(d0, d1) -> (0)>
#map2 = affine_map<(d0, d1) -> (0, 0)>
module attributes {stable_mosaic.version = 14 : i64} {
  func.func @_deg_body(%arg0: i32, %arg1: i32, %arg2: memref<32x79x128xi32, #tpu.memory_space<hbm>>, %arg3: memref<640xf32, #tpu.memory_space<hbm>>, %arg4: memref<2x10240xf32, #tpu.memory_space<hbm>>, %arg5: memref<79x128xi32, #tpu.memory_space<vmem>>, %arg6: memref<128xf32, #tpu.memory_space<vmem>>, %arg7: memref<10240xf32, #tpu.memory_space<vmem_shared>>) attributes {dimension_semantics = [#tpu.dimension_semantics<core_parallel>, #tpu.dimension_semantics<subcore_parallel>], iteration_bounds = array<i64: 2, 16>, scalar_prefetch = 0 : i64, scratch_operands = 3 : i64, tpu.core_type = #tpu.core_type<sc_vector_subcore>, window_params = [{transform_indices = #map}, {transform_indices = #map1}, {transform_indices = #map2}]} {
    %mul3A = arith.constant 16 : i32
    %mul3A_0 = arith.muli %arg0, %mul3A : i32
    %add3A = arith.addi %mul3A_0, %arg1 : i32
    %mul3A_1 = arith.constant 640 : i32
    %mul3A_2 = arith.muli %arg1, %mul3A_1 : i32
    "tpu.region"() ({
      %run_scoped3A = tpu.sem_alloc : memref<!tpu.dma_semaphore, #tpu.memory_space<semaphore_mem>>
      %dma_start3A = tpu.memref_slice %arg7[%mul3A_2] : memref<10240xf32, #tpu.memory_space<vmem_shared>> -> memref<640xf32, #tpu.memory_space<vmem_shared>>
      tpu.enqueue_dma source(%arg3 : memref<640xf32, #tpu.memory_space<hbm>>) target(%dma_start3A : memref<640xf32, #tpu.memory_space<vmem_shared>>) target_semaphore(%run_scoped3A : memref<!tpu.dma_semaphore, #tpu.memory_space<semaphore_mem>>)
      %dma_wait3A = tpu.memref_slice %arg7[%mul3A_2] : memref<10240xf32, #tpu.memory_space<vmem_shared>> -> memref<640xf32, #tpu.memory_space<vmem_shared>>
      tpu.wait_dma2 semaphore(%run_scoped3A : memref<!tpu.dma_semaphore, #tpu.memory_space<semaphore_mem>>) src(%arg3 : memref<640xf32, #tpu.memory_space<hbm>>) dst(%dma_wait3A : memref<640xf32, #tpu.memory_space<vmem_shared>>)
      tpu.yield
    }) : () -> ()
    "tpu.region"() ({
      %run_scoped3A = tpu.sem_alloc : memref<!tpu.dma_semaphore, #tpu.memory_space<semaphore_mem>>
      %dma_start3A = arith.constant 0 : i32
      %dma_start3A_59 = arith.constant 0 : i32
      %dma_start3A_60 = tpu.memref_slice %arg2[%add3A, %dma_start3A, %dma_start3A_59] : memref<32x79x128xi32, #tpu.memory_space<hbm>> -> memref<1x79x128xi32, #tpu.memory_space<hbm>>
      %dma_start3A_61 = tpu.memref_squeeze %dma_start3A_60 : memref<1x79x128xi32, #tpu.memory_space<hbm>> -> memref<79x128xi32, #tpu.memory_space<hbm>>
      %dma_start3A_62 = arith.constant 0 : i32
      %dma_start3A_63 = arith.constant 0 : i32
      %dma_start3A_64 = tpu.memref_slice %arg2[%add3A, %dma_start3A_62, %dma_start3A_63] : memref<32x79x128xi32, #tpu.memory_space<hbm>> -> memref<1x79x128xi32, #tpu.memory_space<hbm>>
      %dma_start3A_65 = tpu.memref_squeeze %dma_start3A_64 : memref<1x79x128xi32, #tpu.memory_space<hbm>> -> memref<79x128xi32, #tpu.memory_space<hbm>>
      tpu.enqueue_dma source(%dma_start3A_65 : memref<79x128xi32, #tpu.memory_space<hbm>>) target(%arg5 : memref<79x128xi32, #tpu.memory_space<vmem>>) target_semaphore(%run_scoped3A : memref<!tpu.dma_semaphore, #tpu.memory_space<semaphore_mem>>)
      %dma_wait3A = arith.constant 0 : i32
      %dma_wait3A_66 = arith.constant 0 : i32
      %dma_wait3A_67 = tpu.memref_slice %arg2[%add3A, %dma_wait3A, %dma_wait3A_66] : memref<32x79x128xi32, #tpu.memory_space<hbm>> -> memref<1x79x128xi32, #tpu.memory_space<hbm>>
      %dma_wait3A_68 = tpu.memref_squeeze %dma_wait3A_67 : memref<1x79x128xi32, #tpu.memory_space<hbm>> -> memref<79x128xi32, #tpu.memory_space<hbm>>
      %dma_wait3A_69 = arith.constant 0 : i32
      %dma_wait3A_70 = arith.constant 0 : i32
      %dma_wait3A_71 = tpu.memref_slice %arg2[%add3A, %dma_wait3A_69, %dma_wait3A_70] : memref<32x79x128xi32, #tpu.memory_space<hbm>> -> memref<1x79x128xi32, #tpu.memory_space<hbm>>
      %dma_wait3A_72 = tpu.memref_squeeze %dma_wait3A_71 : memref<1x79x128xi32, #tpu.memory_space<hbm>> -> memref<79x128xi32, #tpu.memory_space<hbm>>
      tpu.wait_dma2 semaphore(%run_scoped3A : memref<!tpu.dma_semaphore, #tpu.memory_space<semaphore_mem>>) src(%dma_wait3A_72 : memref<79x128xi32, #tpu.memory_space<hbm>>) dst(%arg5 : memref<79x128xi32, #tpu.memory_space<vmem>>)
      tpu.yield
    }) : () -> ()
    %broadcast_in_dim3A = arith.constant 1.000000e+00 : f32
    %broadcast_in_dim3A_3 = vector.broadcast %broadcast_in_dim3A : f32 to vector<16xf32>
    %swap3A = arith.constant 0 : index
    %swap3A_4 = tpu.vector_load %arg6[%swap3A] {strides = array<i32>} : memref<128xf32, #tpu.memory_space<vmem>>, vector<16xf32>,
    %swap3A_5 = vector.shape_cast %swap3A_4 : vector<16xf32> to vector<16xf32>
    %swap3A_6 = vector.shape_cast %broadcast_in_dim3A_3 : vector<16xf32> to vector<16xf32>
    tpu.vector_store %arg6[%swap3A], %swap3A_6 {strides = array<i32>} : memref<128xf32, #tpu.memory_space<vmem>>, vector<16xf32>,
    %broadcast_in_dim3A_7 = arith.constant 1.000000e+00 : f32
    %broadcast_in_dim3A_8 = vector.broadcast %broadcast_in_dim3A_7 : f32 to vector<16xf32>
    %swap3A_9 = arith.constant 16 : index
    %swap3A_10 = tpu.vector_load %arg6[%swap3A_9] {strides = array<i32>} : memref<128xf32, #tpu.memory_space<vmem>>, vector<16xf32>,
    %swap3A_11 = vector.shape_cast %swap3A_10 : vector<16xf32> to vector<16xf32>
    %swap3A_12 = vector.shape_cast %broadcast_in_dim3A_8 : vector<16xf32> to vector<16xf32>
    tpu.vector_store %arg6[%swap3A_9], %swap3A_12 {strides = array<i32>} : memref<128xf32, #tpu.memory_space<vmem>>, vector<16xf32>,
    %broadcast_in_dim3A_13 = arith.constant 1.000000e+00 : f32
    %broadcast_in_dim3A_14 = vector.broadcast %broadcast_in_dim3A_13 : f32 to vector<16xf32>
    %swap3A_15 = arith.constant 32 : index
    %swap3A_16 = tpu.vector_load %arg6[%swap3A_15] {strides = array<i32>} : memref<128xf32, #tpu.memory_space<vmem>>, vector<16xf32>,
    %swap3A_17 = vector.shape_cast %swap3A_16 : vector<16xf32> to vector<16xf32>
    %swap3A_18 = vector.shape_cast %broadcast_in_dim3A_14 : vector<16xf32> to vector<16xf32>
    tpu.vector_store %arg6[%swap3A_15], %swap3A_18 {strides = array<i32>} : memref<128xf32, #tpu.memory_space<vmem>>, vector<16xf32>,
    %broadcast_in_dim3A_19 = arith.constant 1.000000e+00 : f32
    %broadcast_in_dim3A_20 = vector.broadcast %broadcast_in_dim3A_19 : f32 to vector<16xf32>
    %swap3A_21 = arith.constant 48 : index
    %swap3A_22 = tpu.vector_load %arg6[%swap3A_21] {strides = array<i32>} : memref<128xf32, #tpu.memory_space<vmem>>, vector<16xf32>,
    %swap3A_23 = vector.shape_cast %swap3A_22 : vector<16xf32> to vector<16xf32>
    %swap3A_24 = vector.shape_cast %broadcast_in_dim3A_20 : vector<16xf32> to vector<16xf32>
    tpu.vector_store %arg6[%swap3A_21], %swap3A_24 {strides = array<i32>} : memref<128xf32, #tpu.memory_space<vmem>>, vector<16xf32>,
    %broadcast_in_dim3A_25 = arith.constant 1.000000e+00 : f32
    %broadcast_in_dim3A_26 = vector.broadcast %broadcast_in_dim3A_25 : f32 to vector<16xf32>
    %swap3A_27 = arith.constant 64 : index
    %swap3A_28 = tpu.vector_load %arg6[%swap3A_27] {strides = array<i32>} : memref<128xf32, #tpu.memory_space<vmem>>, vector<16xf32>,
    %swap3A_29 = vector.shape_cast %swap3A_28 : vector<16xf32> to vector<16xf32>
    %swap3A_30 = vector.shape_cast %broadcast_in_dim3A_26 : vector<16xf32> to vector<16xf32>
    tpu.vector_store %arg6[%swap3A_27], %swap3A_30 {strides = array<i32>} : memref<128xf32, #tpu.memory_space<vmem>>, vector<16xf32>,
    %broadcast_in_dim3A_31 = arith.constant 1.000000e+00 : f32
    %broadcast_in_dim3A_32 = vector.broadcast %broadcast_in_dim3A_31 : f32 to vector<16xf32>
    %swap3A_33 = arith.constant 80 : index
    %swap3A_34 = tpu.vector_load %arg6[%swap3A_33] {strides = array<i32>} : memref<128xf32, #tpu.memory_space<vmem>>, vector<16xf32>,
    %swap3A_35 = vector.shape_cast %swap3A_34 : vector<16xf32> to vector<16xf32>
    %swap3A_36 = vector.shape_cast %broadcast_in_dim3A_32 : vector<16xf32> to vector<16xf32>
    tpu.vector_store %arg6[%swap3A_33], %swap3A_36 {strides = array<i32>} : memref<128xf32, #tpu.memory_space<vmem>>, vector<16xf32>,
    %broadcast_in_dim3A_37 = arith.constant 1.000000e+00 : f32
    %broadcast_in_dim3A_38 = vector.broadcast %broadcast_in_dim3A_37 : f32 to vector<16xf32>
    %swap3A_39 = arith.constant 96 : index
    %swap3A_40 = tpu.vector_load %arg6[%swap3A_39] {strides = array<i32>} : memref<128xf32, #tpu.memory_space<vmem>>, vector<16xf32>,
    %swap3A_41 = vector.shape_cast %swap3A_40 : vector<16xf32> to vector<16xf32>
    %swap3A_42 = vector.shape_cast %broadcast_in_dim3A_38 : vector<16xf32> to vector<16xf32>
    tpu.vector_store %arg6[%swap3A_39], %swap3A_42 {strides = array<i32>} : memref<128xf32, #tpu.memory_space<vmem>>, vector<16xf32>,
    %broadcast_in_dim3A_43 = arith.constant 1.000000e+00 : f32
    %broadcast_in_dim3A_44 = vector.broadcast %broadcast_in_dim3A_43 : f32 to vector<16xf32>
    %swap3A_45 = arith.constant 112 : index
    %swap3A_46 = tpu.vector_load %arg6[%swap3A_45] {strides = array<i32>} : memref<128xf32, #tpu.memory_space<vmem>>, vector<16xf32>,
    %swap3A_47 = vector.shape_cast %swap3A_46 : vector<16xf32> to vector<16xf32>
    %swap3A_48 = vector.shape_cast %broadcast_in_dim3A_44 : vector<16xf32> to vector<16xf32>
    tpu.vector_store %arg6[%swap3A_45], %swap3A_48 {strides = array<i32>} : memref<128xf32, #tpu.memory_space<vmem>>, vector<16xf32>,
    %barrier3A = arith.constant 0 : index
    tpu.barrier barrier_id(%barrier3A)
    %scan3A = arith.constant 0 : i32
    %scan3A_49 = arith.constant 0 : i32
    %scan3A_50 = arith.constant 79 : i32
    %scan3A_51 = arith.addi %scan3A_49, %scan3A_50 : i32
    %scan3A_52 = arith.constant 1 : i32
    scf.for %scan3A_59 = %scan3A_49 to %scan3A_51 step %scan3A_52  : i32 {
      "tpu.region"() ({
        %run_scoped3A = tpu.sem_alloc : memref<!tpu.dma_semaphore, #tpu.memory_space<semaphore_mem>>
        %dma_start3A = arith.constant 0 : i32
        %dma_start3A_60 = tpu.memref_slice %arg5[%scan3A_59, %dma_start3A] : memref<79x128xi32, #tpu.memory_space<vmem>> -> memref<1x128xi32, #tpu.memory_space<vmem>>
        %dma_start3A_61 = tpu.memref_squeeze %dma_start3A_60 : memref<1x128xi32, #tpu.memory_space<vmem>> -> memref<128xi32, #tpu.memory_space<vmem>>
        %dma_start3A_62 = arith.constant 0 : i32
        %dma_start3A_63 = tpu.memref_slice %arg7[%dma_start3A_62] : memref<10240xf32, #tpu.memory_space<vmem_shared>> -> memref<10240xf32, #tpu.memory_space<vmem_shared>>
        tpu.enqueue_indirect_dma source(%arg6 : memref<128xf32, #tpu.memory_space<vmem>>) target(%dma_start3A_63 : memref<10240xf32, #tpu.memory_space<vmem_shared>>) offsets(%dma_start3A_61 : memref<128xi32, #tpu.memory_space<vmem>>) semaphore(%run_scoped3A : memref<!tpu.dma_semaphore, #tpu.memory_space<semaphore_mem>>) {add = true}
        %dma_wait3A = arith.constant 0 : i32
        %dma_wait3A_64 = tpu.memref_slice %arg5[%scan3A_59, %dma_wait3A] : memref<79x128xi32, #tpu.memory_space<vmem>> -> memref<1x128xi32, #tpu.memory_space<vmem>>
        %dma_wait3A_65 = tpu.memref_squeeze %dma_wait3A_64 : memref<1x128xi32, #tpu.memory_space<vmem>> -> memref<128xi32, #tpu.memory_space<vmem>>
        %dma_wait3A_66 = arith.constant 0 : i32
        %dma_wait3A_67 = tpu.memref_slice %arg7[%dma_wait3A_66] : memref<10240xf32, #tpu.memory_space<vmem_shared>> -> memref<10240xf32, #tpu.memory_space<vmem_shared>>
        tpu.wait_indirect_dma semaphore(%run_scoped3A : memref<!tpu.dma_semaphore, #tpu.memory_space<semaphore_mem>>) src(%arg6 : memref<128xf32, #tpu.memory_space<vmem>>) dst(%dma_wait3A_67 : memref<10240xf32, #tpu.memory_space<vmem_shared>>)
        tpu.yield
      }) : () -> ()
    }
    %scan3A_53 = arith.constant 79 : i32
    %barrier3A_54 = arith.constant 0 : index
    tpu.barrier barrier_id(%barrier3A_54)
    %mul3A_55 = arith.constant 640 : i32
    %mul3A_56 = arith.muli %arg1, %mul3A_55 : i32
    %mul3A_57 = arith.constant 640 : i32
    %mul3A_58 = arith.muli %arg1, %mul3A_57 : i32
    "tpu.region"() ({
      %run_scoped3A = tpu.sem_alloc : memref<!tpu.dma_semaphore, #tpu.memory_space<semaphore_mem>>
      %dma_start3A = arith.constant 0 : i32
      %dma_start3A_59 = tpu.memref_slice %arg4[%arg0, %dma_start3A] : memref<2x10240xf32, #tpu.memory_space<hbm>> -> memref<1x10240xf32, #tpu.memory_space<hbm>>
      %dma_start3A_60 = tpu.memref_squeeze %dma_start3A_59 : memref<1x10240xf32, #tpu.memory_space<hbm>> -> memref<10240xf32, #tpu.memory_space<hbm>>
      %dma_start3A_61 = tpu.memref_slice %dma_start3A_60[%mul3A_58] : memref<10240xf32, #tpu.memory_space<hbm>> -> memref<640xf32, #tpu.memory_space<hbm>>
      %dma_start3A_62 = tpu.memref_slice %arg7[%mul3A_56] : memref<10240xf32, #tpu.memory_space<vmem_shared>> -> memref<640xf32, #tpu.memory_space<vmem_shared>>
      tpu.enqueue_dma source(%dma_start3A_62 : memref<640xf32, #tpu.memory_space<vmem_shared>>) target(%dma_start3A_61 : memref<640xf32, #tpu.memory_space<hbm>>) target_semaphore(%run_scoped3A : memref<!tpu.dma_semaphore, #tpu.memory_space<semaphore_mem>>)
      %dma_wait3A = arith.constant 0 : i32
      %dma_wait3A_63 = tpu.memref_slice %arg4[%arg0, %dma_wait3A] : memref<2x10240xf32, #tpu.memory_space<hbm>> -> memref<1x10240xf32, #tpu.memory_space<hbm>>
      %dma_wait3A_64 = tpu.memref_squeeze %dma_wait3A_63 : memref<1x10240xf32, #tpu.memory_space<hbm>> -> memref<10240xf32, #tpu.memory_space<hbm>>
      %dma_wait3A_65 = tpu.memref_slice %dma_wait3A_64[%mul3A_58] : memref<10240xf32, #tpu.memory_space<hbm>> -> memref<640xf32, #tpu.memory_space<hbm>>
      %dma_wait3A_66 = tpu.memref_slice %arg7[%mul3A_56] : memref<10240xf32, #tpu.memory_space<vmem_shared>> -> memref<640xf32, #tpu.memory_space<vmem_shared>>
      tpu.wait_dma2 semaphore(%run_scoped3A : memref<!tpu.dma_semaphore, #tpu.memory_space<semaphore_mem>>) src(%dma_wait3A_66 : memref<640xf32, #tpu.memory_space<vmem_shared>>) dst(%dma_wait3A_65 : memref<640xf32, #tpu.memory_space<hbm>>)
      tpu.yield
    }) : () -> ()
    return
  }
}

</mosaic_0001>

<sc_bundles>
// kernel: _deg_call.3.cloned.1.call-start
scs
__scs_entry_jumppad:
0x0: {  	(pc) =	sbr.rel $0x88, $3  }
0x1: {  	(tag) =	ssettag $0x0;
	lr =	simm.s32 $0x1  }
0x2: {  	[smem:$0x3F9F] =	sst lr;
	_ =	strace $0xD0000000  }
0x3: {  	_ = 	snop  }
0x4: {  	_ = 	snop  }
0x5: {  	_ = 	snop  }
0x6: {  	_ = 	snop  }
0x7: {  	_ = 	snop  }
__scs_overlays_trampoline_lowered:
0x8: {  	[smem:$0x3FAE] =	sst s0  }
0x9: {  	[smem:$0x3FAF] =	sst s1  }
0xa: {  	[smem:$0x3FB0] =	sst s2  }
0xb: {  	[smem:$0x3FB1] =	sst s3  }
0xc: {  	[smem:$0x3FB2] =	sst s4  }
0xd: {  	[smem:$0x3FB3] =	sst s5  }
0xe: {  	[smem:$0x3FB4] =	sst s6  }
0xf: {  	[smem:$0x3FB5] =	sst s7  }
0x10: {  	[smem:$0x3FB6] =	sst s8  }
0x11: {  	[smem:$0x3FB7] =	sst s9;
	s0 =	simm.s32 @!p0 $0x0  }
0x12: {  	s1 =	sld [smem:$0x3F9D];
	s0 =	simm.s32 @p0 $0x1  }
0x13: {  	[smem:$0x3FB8] =	sst s0;
	s0 =	simm.s32 @!p1 $0x0  }
0x14: {  	s2 =	sld [smem:$0x3F9C];
	s0 =	simm.s32 @p1 $0x1  }
0x15: {  	[smem:$0x3FB9] =	sst s0;
	s0 =	simm.s32 @!p2 $0x0  }
0x16: {  	s3 =	sld [smem:$0x3FDB];
	s0 =	simm.s32 @p2 $0x1  }
0x17: {  	s4 =	simm.s32 $0x1BF5;
	[smem:$0x3FBB] =	sst s0  }
0x18: {  	s0 =	sld [smem:$0x3F9E];
	_ =	swait.ge [sflag:s4], $0x0  }
0x19: {  	s7 =	sld [smem:$0x3F9F]  }
0x1a: {  	s8 =	sadd.s32 $0xFFFFE003, lr  }
0x1b: {  	s9 =	sadd.s32 $0xFFFFFEF7, lr;
	s5 =	simm.s32 $0xFFFFFFFF;
	p2 =	slt.u32 s8, $0xFFFFF086  }
0x1c: {  	p1 =	slt.u32 s9, $0xF7A;
	s5 =	simm.s32 @!p2 $0x0  }
0x1d: {  	s5 =	simm.s32 @p1 $0x1;
	p0 =	seq.s32 s7, s2  }
0x1e: {  	s7 =	smul.u32 @!p0 $0xF7A, s2;
	p2 =	seq.s32 @!p0 s5, $0x0  }
0x1f: {  	s9 =	smul.u32 $0xF7A, s1;
	s8 =	simm.s32 @!p0 $0x1BF5;
	p2 =	por !p2, p0  }
0x20: {  	[sflag:s8] =	ssyncset.s32 @!p0 $0xFFFFF086;
	s6 =	sadd.s32 @!p0 s3, s7;
	s7 =	simm.s32 @!p0 $0x108  }
0x21: {  	s3 =	sadd.s32 s3, s9;
	s6 =	sadd.s32 @!p0 $0x88, s6;
	s7 =	simm.s32 @p2 $0x1082  }
0x22: {  	[simem:s7], [sflag:s8] =	dma.local @!p0 [hbm:s6], $0xF7A  }
0x23: {  	s9 =	sor.u32 $0xD0000000, s2;
	s6 =	simm.s32 $0x108;
	_ =	swait.ge @!p0 [sflag:s8], $0x0  }
0x24: {  	s3 =	sadd.s32 $0x88, s3;
	s6 =	simm.s32 @!p1 $0x1082;
	[sflag:s4] =	ssyncset.s32 $0xFFFFF086  }
0x25: {  	[simem:s6], [sflag:s4] =	dma.local [hbm:s3], $0xF7A  }
0x26: {  	[smem:$0x3F9F] =	sst s1;
	(tag) =	ssettag s2;
	_ =	strace s9  }
0x27: {  	s1 =	sld [smem:$0x3FAF]  }
0x28: {  	s2 =	sld [smem:$0x3FB0]  }
0x29: {  	s4 =	sld [smem:$0x3FB2]  }
0x2a: {  	p0 =	seq.s32 s5, $0x0;
	s5 =	sld [smem:$0x3FB3]  }
0x2b: {  	s6 =	sld [smem:$0x3FB4]  }
0x2c: {  	s7 =	sld [smem:$0x3FB5]  }
0x2d: {  	s3 =	simm.s32 $0x108;
	s8 =	sld [smem:$0x3FB6]  }
0x2e: {  	s3 =	simm.s32 @!p0 $0x1082;
	s9 =	sld [smem:$0x3FB7]  }
0x2f: {  	lr =	sadd.s32 s0, s3;
	s0 =	sld [smem:$0x3FAE]  }
0x30: {  	s3 =	sld [smem:$0x3FB1]  }
0x31: {  	[smem:$0x3FBA] =	sst s10  }
0x32: {  	s10 =	sld [smem:$0x3FB8];
	_ =	sdelay $0x3  }
0x33: {  	p0 =	seq.s32 s10, $0x1;
	s10 =	sld [smem:$0x3FBA];
	_ =	sdelay $0x3  }
0x34: {  	[smem:$0x3FBA] =	sst s10  }
0x35: {  	s10 =	sld [smem:$0x3FB9];
	_ =	sdelay $0x3  }
0x36: {  	p1 =	seq.s32 s10, $0x1;
	s10 =	sld [smem:$0x3FBA];
	_ =	sdelay $0x3  }
0x37: {  	[smem:$0x3FBA] =	sst s10  }
0x38: {  	s10 =	sld [smem:$0x3FBB]  }
0x39: {  	_ = 	snop;
	(pc) =	sbr.ind lr, $3  }
0x3a: {  	_ = 	snop  }
0x3b: {  	_ = 	snop  }
0x3c: {  	p2 =	seq.s32 s10, $0x1;
	s10 =	sld [smem:$0x3FBA]  }
0x3d: {  	_ =	shalt  }
0x3e: {  	_ =	shalt  }
0x3f: {  	_ =	shalt  }
0x40: {  	_ =	shalt  }
0x41: {  	_ =	shalt  }
0x42: {  	_ =	shalt  }
0x43: {  	_ =	shalt  }
0x44: {  	_ =	shalt  }
0x45: {  	_ =	shalt  }
0x46: {  	_ =	shalt  }
0x47: {  	_ =	shalt  }
0x48: {  	_ =	shalt  }
0x49: {  	_ =	shalt  }
0x4a: {  	_ =	shalt  }
0x4b: {  	_ =	shalt  }
0x4c: {  	_ =	shalt  }
0x4d: {  	_ =	shalt  }
0x4e: {  	_ =	shalt  }
0x4f: {  	_ =	shalt  }
0x50: {  	_ =	shalt  }
0x51: {  	_ =	shalt  }
0x52: {  	_ =	shalt  }
0x53: {  	_ =	shalt  }
0x54: {  	_ =	shalt  }
0x55: {  	_ =	shalt  }
0x56: {  	_ =	shalt  }
0x57: {  	_ =	shalt  }
0x58: {  	_ =	shalt  }
0x59: {  	_ =	shalt  }
0x5a: {  	_ =	shalt  }
0x5b: {  	_ =	shalt  }
0x5c: {  	_ =	shalt  }
0x5d: {  	_ =	shalt  }
0x5e: {  	_ =	shalt  }
0x5f: {  	_ =	shalt  }
0x60: {  	_ =	shalt  }
0x61: {  	_ =	shalt  }
0x62: {  	_ =	shalt  }
0x63: {  	_ =	shalt  }
0x64: {  	_ =	shalt  }
0x65: {  	_ =	shalt  }
0x66: {  	_ =	shalt  }
0x67: {  	_ =	shalt  }
0x68: {  	_ =	shalt  }
0x69: {  	_ =	shalt  }
0x6a: {  	_ =	shalt  }
0x6b: {  	_ =	shalt  }
0x6c: {  	_ =	shalt  }
0x6d: {  	_ =	shalt  }
0x6e: {  	_ =	shalt  }
0x6f: {  	_ =	shalt  }
0x70: {  	_ =	shalt  }
0x71: {  	_ =	shalt  }
0x72: {  	_ =	shalt  }
0x73: {  	_ =	shalt  }
0x74: {  	_ =	shalt  }
0x75: {  	_ =	shalt  }
0x76: {  	_ =	shalt  }
0x77: {  	_ =	shalt  }
0x78: {  	_ =	shalt  }
0x79: {  	_ =	shalt  }
0x7a: {  	_ =	shalt  }
0x7b: {  	_ =	shalt  }
0x7c: {  	_ =	shalt  }
0x7d: {  	_ =	shalt  }
0x7e: {  	_ =	shalt  }
0x7f: {  	_ =	shalt  }
0x80: {  	_ =	shalt  }
0x81: {  	_ =	shalt  }
0x82: {  	_ =	shalt  }
0x83: {  	_ =	shalt  }
0x84: {  	_ =	shalt  }
0x85: {  	_ =	shalt  }
0x86: {  	_ =	shalt  }
0x87: {  	_ =	shalt  }
.Lfunc_end0:
.L_simem_size_0:
called_computation_lowered:
.L_overlay_start_0:
0x88: {  	s2 =	sld [smem:$0x3FD9]  }
0x89: {  	s3 =	sld [smem:$0x3FFE];
	_ =	sdelay $0x1  }
0x8a: {  	s1 =	srdreg.scid  }
0x8b: {  	s0 =	sand.u32 $0x1, s1  }
0x8c: {  	s17 =	sshll.u32 s0, $0xA;
	s2 =	sadd.s32 s3, s2  }
0x8d: {  	s2 =	sadd.s32 s2, s17  }
0x8e: {  	[smem:$0x3FC6] =	sst s2  }
0x8f: {  	_ = 	snop  }
0x90: {  	s2 =	sld [smem:$0x3FC8]  }
0x91: {  	s18 =	sld [smem:$0x3FD0];
	(tm) =	ssettm $0x1  }
0x92: {  	s4 =	sld [smem:$0x3FFB];
	_ =	sdelay $0x3  }
0x93: {  	_ =	strace s4  }
0x94: {  	s4 =	sld [smem:$0x3FFC];
	_ =	sdelay $0x3  }
0x95: {  	_ =	strace s4  }
0x96: {  	s4 =	sld [smem:$0x3FFD];
	_ =	sdelay $0x3  }
0x97: {  	_ =	strace s4  }
0x98: {  	_ =	strace $0x8FFFFFFF  }
0x99: {  	s19 =	sld [smem:$0x3FDB];
	_ =	sdelay $0x1  }
0x9a: {  	s5 =	simm.s32 $_scs_section_size  }
0x9b: {  	s6 =	simm.s32 $_size__tile_overlayer_lowered;
	s7 =	simm.s32 $_tile_overlayer_lowered  }
0x9c: {  	s22 =	simm.s32 $0x1BFF;
	s21 =	sshll.u32 s7, $0x1;
	s4 =	sadd.s32 s5, s19  }
0x9d: {  	s8 =	simm.s32 $0x0;
	s20 =	sshll.u32 s6, $0x1;
	s6 =	sadd.s32 s21, s4  }
0x9e: {  	[timem:s8], [sflag:s22] =	dma.local [hbm:s6], s20  }
0x9f: {  	_ =	swait.ge [sflag:s22], s20  }
0xa0: {  	s5 =	ssub.s32 $0x0, s20;
	[sflag:s22] =	ssyncset.done $0x0  }
0xa1: {  	[sflag:s22] =	ssyncadd.s32 s5;
	_ =	sdelay $0x1  }
0xa2: {  	s23 =	simm.s32 $0x1B8B  }
0xa3: {  	_ =	swait.ge [sflag:s23], $0x1  }
0xa4: {  	[sflag:s23] =	ssyncset.done $0x0  }
0xa5: {  	s25 =	simm.s32 $0x1B8E;
	s24 =	sld [smem:$0x3FFE];
	[sflag:s23] =	ssyncadd.s32 $0xFFFFFFFF  }
0xa6: {  	s26 =	simm.s32 $execute0_lowered;
	[smem:$0x3FD2] =	sst s25  }
0xa7: {  	s6 =	sshll.u32 s26, $0x1;
	_ =	strace $0x80000046;
	[dreg:$0x1] =	wrdreg $0xFFFFFFFF  }
0xa8: {  	s28 =	simm.s32 $_size_execute0_lowered;
	s4 =	sadd.s32 s4, s6;
	[dreg:$0x0] =	wrdreg $0x0  }
0xa9: {  	s6 =	sshll.u32 s28, $0x1;
	[dreg:$0x2] =	wrdreg s4  }
0xaa: {  	[dreg:$0x3] =	wrdreg s6  }
0xab: {  	[dreg:$0x4] =	wrdreg $0xC0  }
0xac: {  	_ =	task [dreg:s8], $0x5FFFF  }
0xad: {  	[dreg:$0x1] =	wrdreg $0xFFFFFFFF  }
0xae: {  	[dreg:$0x0] =	wrdreg $0x60  }
0xaf: {  	[dreg:$0x2] =	wrdreg s24  }
0xb0: {  	[dreg:$0x3] =	wrdreg s2  }
0xb1: {  	[dreg:$0x4] =	wrdreg s18  }
0xb2: {  	[dreg:$0x5] =	wrdreg $0x28800  }
0xb3: {  	[dreg:$0x6] =	wrdreg $0x9  }
0xb4: {  	_ =	task.clear_ibuf [dreg:s8], $0x7FFFF;
	_ =	strace $0x90000046  }
0xb5: {  	s29 =	simm.s32 $0x9;
	_ =	strace $0x80000048  }
0xb6: {  	_ =	swait.ge [sflag:s29], $0x1  }
0xb7: {  	[sflag:s29] =	ssyncadd.s32 $0xFFFFFFFF  }
0xb8: {  	_ =	strace $0x90000048  }
0xb9: {  	_ =	sfence  }
0xba: {  	s30 =	sld [smem:$0x0];
	_ =	sdelay $0x2  }
0xbb: {  	s31 =	sshll.u32 s1, $0xD;
	s1 =	sshrl.u32 s1, $0x2  }
0xbc: {  	s3 =	sand.u32 $0x4000, s31;
	s1 =	sadd.s32 s1, s30  }
0xbd: {  	s0 =	sor.u32 s3, s0;
	s1 =	sshll.u32 s1, $0x11  }
0xbe: {  	s0 =	sor.u32 s1, s0  }
0xbf: {  	s0 =	sadd.s32 $0x8F2B, s0  }
0xc0: {  	[sflag:s0] =	ssyncadd.remote.s32 $0x1  }
0xc1: {  	_ =	sfence.sel $0xFFFF  }
0xc2: {  	[dreg:$0x0] =	wrdreg $0xFFFFFFFF;
	(pc) =	sbr.abs _section_cstart, $3  }
0xc3: {  	[dreg:$0x1] =	wrdreg $0xFFFFFFFF  }
0xc4: {  	_ =	task.clear_ibuf [dreg:s8], $0x2FFFF;
	_ =	strace $0x9FFFFFFF  }
0xc5: {  	(tm) =	ssettm $0x7FFFFFFF  }
tec
execute0_lowered:
.L_overlay_start_1:
0x0: {  	(tag) =	ssettag $0x1  }
0x1: {  	s5 =	rddreg [dreg:$0x0]  }
0x2: {  	s1 =	rddreg [dreg:$0x1]  }
0x3: {  	s7 =	rddreg [dreg:$0x2]  }
0x4: {  	s0 =	srdreg.scid;
	s3 =	rddreg [dreg:$0x3]  }
0x5: {  	s2 =	rddreg [dreg:$0x4];
	s4 =	simm.s32 $0x0;
	s15 =	simm.s32 $0x0  }
0x6: {  	s6 =	sand.u32 $0x1, s0;
	s0 =	stileid.u32;
	[smem:$0x7FF] =	sst s4  }
0x7: {  	s8 =	sshll.u32 s6, $0x4;
	s10 =	smul.u32 $0xA00, s0;
	_ =	strace $0x80000047  }
0x8: {  	s31 =	ssub.s32 $0x2, s6;
	s11 =	sshll.u32 s0, $0x6;
	s14 =	smul.u32 $0xA0, s0  }
0x9: {  	s9 =	sor.u32 s0, s8;
	s6 =	sshrl.u32 s31, $0x1;
	s13 =	sadd.s32 s7, s8  }
0xa: {  	s9 =	smul.u32 $0x500, s9;
	s10 =	sshrl.u32 s10, $0x2;
	s12 =	ssub.s32 s31, s6  }
0xb: {  	s10 =	sadd.s32 s10, s3;
	s7 =	smax.u32 s12, $0x1;
	s12 =	sadd.s32 s14, s13  }
0xc: {  	s13 =	simm.s32 $0x20;
	s14 =	simm.s32 $0x10;
	s9 =	sadd.s32 s9, s5  }
0xd: {  	s5 =	sor.u32 $0x1C01, s11;
	s8 =	sshrl.u32 s10, $0x3;
	s10 =	simm.s32 $0x80  }
0xe: {  	v0 =	vimm.f32 $1.000000000e+00;
	s11 =	simm.s32 $0x2800;
	s6 =	sadd.s32 $0x400, s9;
	s9 =	simm.s32 $0x1  }
.LBB2_1:
0xf: {  	[spmem:s8], [sflag:s5] =	dma.local [hbm:s1], $0x50  }
0x10: {  	_ =	swait.ge [sflag:s9], $0x50  }
0x11: {  	[sflag:s9] =	ssyncset.done $0x0  }
0x12: {  	[sflag:s9] =	ssyncadd.s32 $0xFFFFFFB0  }
0x13: {  	[tilespmem:s4], [sflag:$0x1] =	stream.linear.gather [hbm4b:s6+s4], $0x2780, $0x38;
	[tilespmem:$0x2B00] =	vst v63  }
0x14: {  	_ =	swait.ge [sflag:s9], $0x2780  }
0x15: {  	[sflag:s9] =	ssyncset.done $0x0  }
0x16: {  	[sflag:s9] =	ssyncadd.s32 $0xFFFFD880  }
0x17: {  	[tilespmem:$0x2800] =	vst v0  }
0x18: {  	[tilespmem:$0x2810] =	vst v0  }
0x19: {  	[tilespmem:$0x2820] =	vst v0  }
0x1a: {  	[tilespmem:$0x2830] =	vst v0  }
0x1b: {  	[tilespmem:$0x2840] =	vst v0  }
0x1c: {  	[tilespmem:$0x2850] =	vst v0  }
0x1d: {  	[tilespmem:$0x2860] =	vst v0  }
0x1e: {  	[tilespmem:$0x2870] =	vst v0  }
0x1f: {  	s16 =	simm.s32 $0x0;
	[bflag:$0x0] =	sbarrier.arrive $0xFFFF  }
0x20: {  	[spmem:s3] =	stream.indirect.scatter.add.f32 [tilespmem:s11], [sflag:$0x1], $0x1, s16, s10, $0xb8;
	[tilespmem:$0x2B00] =	vst v63  }
0x21: {  	_ =	swait.ge [sflag:s9], $0x80  }
0x22: {  	s16 =	simm.s32 $0x200;
	[sflag:s9] =	ssyncset.done $0x0  }
.LBB2_2:
0x23: {  	s17 =	sshra.s32 s16, $0x2;
	[sflag:s9] =	ssyncadd.s32 $0xFFFFFF80;
	p0 =	sne.s32 s16, $0x9C00  }
0x24: {  	[spmem:s3] =	stream.indirect.scatter.add.f32 [tilespmem:s11], [sflag:$0x1], $0x1, s17, s10, $0xb8;
	[tilespmem:$0x2B00] =	vst v63  }
.Ltmp0:
0x25: {  	_ = 	snop;
	(pc) =	sbr.rel @p0 .LBB2_2-.Ltmp0, $4  }
0x26: {  	_ = 	snop  }
0x27: {  	s16 =	sadd.s32 $0x200, s16  }
0x28: {  	_ =	swait.ge [sflag:s9], $0x80  }
0x29: {  	[sflag:s9] =	ssyncset.done $0x0  }
0x2a: {  	s15 =	sadd.s32 $0x1, s15  }
0x2b: {  	[sflag:s9] =	ssyncadd.s32 $0xFFFFFF80;
	p0 =	sne.s32 s15, s7  }
.Ltmp1:
0x2c: {  	[bflag:$0x0] =	sbarrier.arrive $0xFFFF;
	(pc) =	sbr.rel @p0 .LBB2_1-.Ltmp1, $4  }
0x2d: {  	[hbm:s12@s13], [sflag:s5] =	dma.strided [spmem:s8@s14], $0x50, s9, $0x10   }
0x2e: {  	_ =	swait.ge [sflag:s9], $0x50  }
0x2f: {  	[sflag:s9] =	ssyncset.done $0x0  }
0x30: {  	[sflag:s9] =	ssyncadd.s32 $0xFFFFFFB0  }
0x31: {  	_ =	sfence.sel $0x180000  }
0x32: {  	[bflag:$0x0] =	sbarrier.arrive $0xFFFF  }
0x33: {  	p0 =	sne.s32 s0, $0x0;
	_ =	strace $0x90000047  }
0x34: {  	s0 =	sadd.s32 @!p0 $0x100000, s2;
	[bflag:$0x2] =	sbarrier.arrive $0xFFFF  }
0x35: {  	[sflag:s0] =	ssyncadd.tile.s32 @!p0 $0x1;
	_ =	shalt  }
.Lfunc_end2:
_tile_overlayer_lowered:
.L_overlay_start_2:
0x36: {  	(tag) =	ssettag $0x2  }
0x37: {  	s0 =	rddreg [dreg:$0x0];
	s2 =	stileid.u32  }
0x38: {  	s1 =	rddreg [dreg:$0x1];
	p0 =	sne.s32 s2, $0x0  }
0x39: {  	s3 =	rddreg [dreg:$0x2];
	[bflag:$0x3] =	sbarrier.arrive $0xFFFF;
	s2 =	simm.s32 @!p0 $0x1C01  }
0x3a: {  	[timem:s3], [sflag:s2] =	dma.local @!p0 [hbm:s0], s1  }
0x3b: {  	s0 =	simm.s32 @!p0 $0x1  }
0x3c: {  	_ =	swait.ge @!p0 [sflag:s0], s1  }
0x3d: {  	s1 =	ssub.s32 @!p0 $0x0, s1;
	[sflag:s0] =	ssyncset.done @!p0 $0x0  }
0x3e: {  	[sflag:s0] =	ssyncadd.s32 @!p0 s1  }
0x3f: {  	[bflag:$0x3] =	sbarrier.arrive $0xFFFF  }
0x40: {  	_ =	shalt  }

</sc_bundles>
